<compile_context>
chip_gen: v7x
topology: tpu7x:2x2x1
jax: 0.10.2.dev20260603
libtpu: 0.0.44.dev20260713+nightly
codegen_flags: <defaults>
</compile_context>

<pallas_src>
import functools

import jax
import jax.numpy as jnp
from jax.experimental import pallas as pl

_CMID = 16


def _pconv_block_kernel(rel_ref, nbv_ref, w1_ref, b1_ref, w2_ref, b2_ref,
                        wl_ref, bl_ref, o_ref, *, blk, k, cin, cout):
    rel = rel_ref[...]
    h = jnp.maximum(rel @ w1_ref[...] + b1_ref[...], 0.0)
    h = h @ w2_ref[...] + b2_ref[...]
    nbv = nbv_ref[...].reshape(blk, k, cin)
    h3 = h.reshape(blk, k, _CMID)
    agg = jnp.einsum('bkc,bkm->bcm', nbv, h3,
                     preferred_element_type=jnp.float32) * (1.0 / k)
    out = agg.reshape(blk, cin * _CMID) @ wl_ref[...] + bl_ref[...]
    o_ref[...] = out


def _run_pconv(rel, nbv, p, blk=128):
    B, N, k, d = rel.shape
    cin = nbv.shape[-1]
    cout = p['Wl'].shape[-1]
    flat = rel.reshape(-1, d)
    ntot = flat.shape[0]
    mr = jnp.mean(flat, 0)
    cov = flat.T @ flat / ntot - jnp.outer(mr, mr)
    m = mr @ p['W1'] + p['b1']
    v = jnp.einsum('aj,ab,bj->j', p['W1'], cov, p['W1'])
    s = p['g1'] / jnp.sqrt(v + 1e-5)
    w1f = p['W1'] * s[None, :]
    b1f = (p['b1'] - m) * s + p['be1']

    bn = B * N
    rel2 = rel.reshape(bn * k, d)
    nbv2 = nbv.reshape(bn * k, cin)
    grid = (bn // blk,)
    out = pl.pallas_call(
        functools.partial(_pconv_block_kernel, blk=blk, k=k, cin=cin,
                          cout=cout),
        grid=grid,
        in_specs=[
            pl.BlockSpec((blk * k, d), lambda i: (i, 0)),
            pl.BlockSpec((blk * k, cin), lambda i: (i, 0)),
            pl.BlockSpec((d, _CMID), lambda i: (0, 0)),
            pl.BlockSpec((1, _CMID), lambda i: (0, 0)),
            pl.BlockSpec((_CMID, _CMID), lambda i: (0, 0)),
            pl.BlockSpec((1, _CMID), lambda i: (0, 0)),
            pl.BlockSpec((cin * _CMID, cout), lambda i: (0, 0)),
            pl.BlockSpec((1, cout), lambda i: (0, 0)),
        ],
        out_specs=pl.BlockSpec((blk, cout), lambda i: (i, 0)),
        out_shape=jax.ShapeDtypeStruct((bn, cout), jnp.float32),
    )(rel2, nbv2, w1f, b1f.reshape(1, _CMID), p['W2'],
      p['b2'].reshape(1, _CMID), p['Wl'], p['bl'].reshape(1, cout))
    return out.reshape(B, N, cout)


def kernel(ctx_coords, ctx_values, tgt_coords, params):
    B, C, d = ctx_coords.shape
    T = tgt_coords.shape[1]
    y = ctx_values.shape[-1]
    coords = jnp.concatenate([ctx_coords, tgt_coords], axis=1)
    N = C + T

    sq = jnp.sum(coords * coords, -1)
    d2 = sq[:, :, None] + sq[:, None, :] - 2.0 * jnp.einsum(
        'bnd,bmd->bnm', coords, coords)
    _, idx300 = jax.lax.top_k(-d2, 300)
    idx5 = idx300[:, :, :5]

    gat = jax.vmap(lambda arr, i: arr[i])
    nbc300 = gat(coords, idx300)
    rel300 = nbc300 - coords[:, :, None, :]
    nbc5 = nbc300[:, :, :5, :]
    rel5 = nbc5 - coords[:, :, None, :]

    density = jnp.concatenate(
        [jnp.ones_like(ctx_values), jnp.zeros((B, T, y), jnp.float32)], axis=1)
    signal = jnp.concatenate(
        [ctx_values, jnp.zeros((B, T, y), jnp.float32)], axis=1)

    dprime = _run_pconv(rel300, gat(density, idx300), params['ct'], blk=8)
    sprime = _run_pconv(rel300, gat(signal, idx300), params['ct'], blk=8)
    h = jnp.concatenate([dprime, sprime], axis=-1)
    h = jax.nn.relu(_run_pconv(rel5, gat(h, idx5), params['c1']))
    h = jax.nn.relu(_run_pconv(rel5, gat(h, idx5), params['c2']))
    h = jax.nn.relu(_run_pconv(rel5, gat(h, idx5), params['c3']))
    f = _run_pconv(rel5, gat(h, idx5), params['c4'])
    f_mu = f[:, C:, 0]
    f_sigma = jax.nn.softplus(f[:, C:, 1])
    sigma = jnp.eye(T, dtype=jnp.float32)[None, :, :] * f_sigma[:, :, None]
    return (f_mu, sigma)

# --- scband reference (transcript-rebuilt; emitter-appended) ---
"""Pipeline reference for scband-adaptive-point-cnp-23321672417655 (READ-ONLY COPY).

The authoritative reference and input builder live on the scoring server;
editing this copy changes nothing except your own understanding.
"""

import jax, jax.numpy as jnp
import numpy as np

CMID = 16

def _bn(x, g, b):
    m = jnp.mean(x, axis=(0, 1, 2), keepdims=True)
    v = jnp.var(x, axis=(0, 1, 2), keepdims=True)
    return (x - m) / jnp.sqrt(v + 1e-5) * g + b

def _pconv(coords, values, k, p):
    # PointConv: kNN gather -> coord-MLP weights -> weighted mean aggregate -> linear
    B, N, d = coords.shape
    sq = jnp.sum(coords * coords, -1)
    d2 = sq[:, :, None] + sq[:, None, :] - 2.0 * jnp.einsum('bnd,bmd->bnm', coords, coords)
    _, idx = jax.lax.top_k(-d2, k)  # (B, N, k) nearest neighbors (incl. self)
    gat = jax.vmap(lambda arr, i: arr[i])
    nbc = gat(coords, idx)  # (B, N, k, d)
    nbv = gat(values, idx)  # (B, N, k, cin)
    rel = nbc - coords[:, :, None, :]
    h = rel @ p['W1'] + p['b1']
    h = _bn(h, p['g1'], p['be1'])
    h = jax.nn.relu(h)
    h = h @ p['W2'] + p['b2']  # (B, N, k, CMID)
    agg = jnp.einsum('bnkc,bnkm->bncm', nbv, h) / float(k)  # mean aggregation
    out = agg.reshape(B, N, -1) @ p['Wl'] + p['bl']
    return out

def _forward(ctx_coords, ctx_values, tgt_coords, params):
    B, C, _ = ctx_coords.shape
    T = tgt_coords.shape[1]
    y = ctx_values.shape[-1]
    merged_coords = jnp.concatenate([ctx_coords, tgt_coords], axis=1)  # (B, C+T, d)
    density = jnp.concatenate([jnp.ones_like(ctx_values), jnp.zeros((B, T, y), jnp.float32)], axis=1)
    signal = jnp.concatenate([ctx_values, jnp.zeros((B, T, y), jnp.float32)], axis=1)
    density_prime = _pconv(merged_coords, density, 300, params['ct'])
    signal_prime = _pconv(merged_coords, signal, 300, params['ct'])
    h = jnp.concatenate([density_prime, signal_prime], axis=-1)  # (B, N, 256)
    h = jax.nn.relu(_pconv(merged_coords, h, 5, params['c1']))
    h = jax.nn.relu(_pconv(merged_coords, h, 5, params['c2']))
    h = jax.nn.relu(_pconv(merged_coords, h, 5, params['c3']))
    f = _pconv(merged_coords, h, 5, params['c4'])  # (B, N, 2)
    f_mu = f[:, C:, 0]
    f_sigma = jax.nn.softplus(f[:, C:, 1])
    sigma = jnp.eye(T, dtype=jnp.float32)[None, :, :] * f_sigma[:, :, None]  # diag_embed
    return (f_mu, sigma)

def _mk(key, d, cin, cout):
    ks = jax.random.split(key, 3)
    return {
        'W1': jax.random.normal(ks[0], (d, CMID), jnp.float32) * 0.3,
        'b1': jnp.zeros((CMID,), jnp.float32),
        'g1': jnp.ones((CMID,), jnp.float32),
        'be1': jnp.zeros((CMID,), jnp.float32),
        'W2': jax.random.normal(ks[1], (CMID, CMID), jnp.float32) * 0.3,
        'b2': jnp.zeros((CMID,), jnp.float32),
        'Wl': jax.random.normal(ks[2], (cin * CMID, cout), jnp.float32) * (1.0 / np.sqrt(cin * CMID)),
        'bl': jnp.zeros((cout,), jnp.float32),
    }

def setup_inputs(seed: int = 0):
    key = jax.random.key(seed)
    k1, k2, k3, k4 = jax.random.split(key, 4)
    B, C, T, XD, YD = 2, 1024, 1024, 3, 3
    ctx_coords = jax.random.normal(k1, (B, C, XD), jnp.float32)
    ctx_values = jax.random.normal(k2, (B, C, YD), jnp.float32)
    tgt_coords = jax.random.normal(k3, (B, T, XD), jnp.float32)
    pk = jax.random.split(k4, 5)
    params = {
        'ct': _mk(pk[0], XD, YD, 128),
        'c1': _mk(pk[1], XD, 256, 16),
        'c2': _mk(pk[2], XD, 16, 32),
        'c3': _mk(pk[3], XD, 32, 16),
        'c4': _mk(pk[4], XD, 16, 2),
    }
    return {'ctx_coords': ctx_coords, 'ctx_values': ctx_values, 'tgt_coords': tgt_coords, 'params': params}

def reference(ctx_coords, ctx_values, tgt_coords, params):
    return _forward(ctx_coords, ctx_values, tgt_coords, params)

if __name__ == "__main__":
    import jax
    _d = setup_inputs()
    print(jax.jit(kernel)(*tuple(_d.values())))

</pallas_src>

<mosaic_0001>
module attributes {stable_mosaic.version = 14 : i64} {
  func.func @_pconv_block_kernel(%arg0: i32, %arg1: memref<2400x3xf32, #tpu.memory_space<vmem>>, %arg2: memref<2400x3xf32, #tpu.memory_space<vmem>>, %arg3: memref<3x16xf32, #tpu.memory_space<vmem>>, %arg4: memref<1x16xf32, #tpu.memory_space<vmem>>, %arg5: memref<16x16xf32, #tpu.memory_space<vmem>>, %arg6: memref<1x16xf32, #tpu.memory_space<vmem>>, %arg7: memref<48x128xf32, #tpu.memory_space<vmem>>, %arg8: memref<1x128xf32, #tpu.memory_space<vmem>>, %arg9: memref<8x128xf32, #tpu.memory_space<vmem>>) attributes {dimension_semantics = [#tpu.dimension_semantics<arbitrary>], iteration_bounds = array<i64: 512>, scalar_prefetch = 0 : i64, scratch_operands = 0 : i64, tpu.core_type = #tpu.core_type<tc>, window_params = [{transform_indices = @transform_0, window_bounds = array<i64: 2400, 3>}, {transform_indices = @transform_1, window_bounds = array<i64: 2400, 3>}, {pipeline_mode = #tpu.pipeline_mode<synchronous>, transform_indices = @transform_2, window_bounds = array<i64: 3, 16>}, {pipeline_mode = #tpu.pipeline_mode<synchronous>, transform_indices = @transform_3, window_bounds = array<i64: 1, 16>}, {pipeline_mode = #tpu.pipeline_mode<synchronous>, transform_indices = @transform_4, window_bounds = array<i64: 16, 16>}, {pipeline_mode = #tpu.pipeline_mode<synchronous>, transform_indices = @transform_5, window_bounds = array<i64: 1, 16>}, {pipeline_mode = #tpu.pipeline_mode<synchronous>, transform_indices = @transform_6, window_bounds = array<i64: 48, 128>}, {pipeline_mode = #tpu.pipeline_mode<synchronous>, transform_indices = @transform_7, window_bounds = array<i64: 1, 128>}, {transform_indices = @transform_8, window_bounds = array<i64: 8, 128>}]} {
    %get3A = arith.constant 0 : index
    %get3A_0 = arith.constant 0 : index
    %get3A_1 = vector.load %arg1[%get3A, %get3A_0] : memref<2400x3xf32, #tpu.memory_space<vmem>>, vector<2400x3xf32>
    %get3A_2 = arith.constant 0 : index
    %get3A_3 = arith.constant 0 : index
    %get3A_4 = vector.load %arg3[%get3A_2, %get3A_3] : memref<3x16xf32, #tpu.memory_space<vmem>>, vector<3x16xf32>
    %dot_general3A = arith.constant dense<0.000000e+00> : vector<2400x16xf32>
    %dot_general3A_5 = tpu.matmul %get3A_1, %get3A_4, %dot_general3A {dimension_numbers = #tpu.dot_dimension_numbers<[1], [0], [0], [1], [0, 0, 1, 1], [], []>, transpose_lhs_hint = false} : vector<2400x3xf32>, vector<3x16xf32>, vector<2400x16xf32> -> vector<2400x16xf32>
    %get3A_6 = arith.constant 0 : index
    %get3A_7 = arith.constant 0 : index
    %get3A_8 = vector.load %arg4[%get3A_6, %get3A_7] : memref<1x16xf32, #tpu.memory_space<vmem>>, vector<1x16xf32>
    %add3A = vector.broadcast %get3A_8 : vector<1x16xf32> to vector<2400x16xf32>
    %add3A_9 = arith.addf %dot_general3A_5, %add3A : vector<2400x16xf32>
    %max3A = arith.constant 0.000000e+00 : f32
    %max3A_10 = vector.broadcast %max3A : f32 to vector<2400x16xf32>
    %max3A_11 = arith.maximumf %add3A_9, %max3A_10 : vector<2400x16xf32>
    %get3A_12 = arith.constant 0 : index
    %get3A_13 = arith.constant 0 : index
    %get3A_14 = vector.load %arg5[%get3A_12, %get3A_13] : memref<16x16xf32, #tpu.memory_space<vmem>>, vector<16x16xf32>
    %dot_general3A_15 = arith.constant dense<0.000000e+00> : vector<2400x16xf32>
    %dot_general3A_16 = tpu.matmul %max3A_11, %get3A_14, %dot_general3A_15 {dimension_numbers = #tpu.dot_dimension_numbers<[1], [0], [0], [1], [0, 0, 1, 1], [], []>, transpose_lhs_hint = false} : vector<2400x16xf32>, vector<16x16xf32>, vector<2400x16xf32> -> vector<2400x16xf32>
    %get3A_17 = arith.constant 0 : index
    %get3A_18 = arith.constant 0 : index
    %get3A_19 = vector.load %arg6[%get3A_17, %get3A_18] : memref<1x16xf32, #tpu.memory_space<vmem>>, vector<1x16xf32>
    %add3A_20 = vector.broadcast %get3A_19 : vector<1x16xf32> to vector<2400x16xf32>
    %add3A_21 = arith.addf %dot_general3A_16, %add3A_20 : vector<2400x16xf32>
    %get3A_22 = arith.constant 0 : index
    %get3A_23 = arith.constant 0 : index
    %get3A_24 = vector.load %arg2[%get3A_22, %get3A_23] : memref<2400x3xf32, #tpu.memory_space<vmem>>, vector<2400x3xf32>
    %reshape3A = vector.shape_cast %get3A_24 : vector<2400x3xf32> to vector<8x300x3xf32>
    %reshape3A_25 = vector.shape_cast %add3A_21 : vector<2400x16xf32> to vector<8x300x16xf32>
    "tpu.trace_start"() <{level = 10 : i32, message = "bkc,bkm->bcm"}> : () -> ()
    %dot_general3A_26 = arith.constant dense<0.000000e+00> : vector<8x3x16xf32>
    %dot_general3A_27 = tpu.matmul %reshape3A, %reshape3A_25, %dot_general3A_26 {dimension_numbers = #tpu.dot_dimension_numbers<[1], [1], [2], [2], [0, 0, 0, 2, 1, 2], [0], [0]>, transpose_lhs_hint = false} : vector<8x300x3xf32>, vector<8x300x16xf32>, vector<8x3x16xf32> -> vector<8x3x16xf32>
    "tpu.trace_stop"() : () -> ()
    %mul3A = arith.constant 0.00333333341 : f32
    %mul3A_28 = vector.broadcast %mul3A : f32 to vector<8x3x16xf32>
    %mul3A_29 = arith.mulf %dot_general3A_27, %mul3A_28 : vector<8x3x16xf32>
    %reshape3A_30 = vector.shape_cast %mul3A_29 : vector<8x3x16xf32> to vector<8x48xf32>
    %get3A_31 = arith.constant 0 : index
    %get3A_32 = arith.constant 0 : index
    %get3A_33 = vector.load %arg7[%get3A_31, %get3A_32] : memref<48x128xf32, #tpu.memory_space<vmem>>, vector<48x128xf32>
    %dot_general3A_34 = arith.constant dense<0.000000e+00> : vector<8x128xf32>
    %dot_general3A_35 = tpu.matmul %reshape3A_30, %get3A_33, %dot_general3A_34 {dimension_numbers = #tpu.dot_dimension_numbers<[1], [0], [0], [1], [0, 0, 1, 1], [], []>, transpose_lhs_hint = false} : vector<8x48xf32>, vector<48x128xf32>, vector<8x128xf32> -> vector<8x128xf32>
    %get3A_36 = arith.constant 0 : index
    %get3A_37 = arith.constant 0 : index
    %get3A_38 = vector.load %arg8[%get3A_36, %get3A_37] : memref<1x128xf32, #tpu.memory_space<vmem>>, vector<1x128xf32>
    %add3A_39 = vector.broadcast %get3A_38 : vector<1x128xf32> to vector<8x128xf32>
    %add3A_40 = arith.addf %dot_general3A_35, %add3A_39 : vector<8x128xf32>
    %swap3A = arith.constant 0 : index
    %swap3A_41 = arith.constant 0 : index
    %swap3A_42 = vector.load %arg9[%swap3A, %swap3A_41] : memref<8x128xf32, #tpu.memory_space<vmem>>, vector<8x128xf32>
    tpu.vector_store %arg9[%swap3A, %swap3A_41], %add3A_40 {strides = array<i32>} : memref<8x128xf32, #tpu.memory_space<vmem>>, vector<8x128xf32>,
    return
  }
  func.func @transform_0(%arg0: i32) -> (i32, i32) {
    %c0_i32 = arith.constant 0 : i32
    %c0_i32_0 = arith.constant 0 : i32
    return %arg0, %c0_i32 : i32, i32
  }
  func.func @transform_1(%arg0: i32) -> (i32, i32) {
    %c0_i32 = arith.constant 0 : i32
    %c0_i32_0 = arith.constant 0 : i32
    return %arg0, %c0_i32 : i32, i32
  }
  func.func @transform_2(%arg0: i32) -> (i32, i32) {
    %c0_i32 = arith.constant 0 : i32
    %c0_i32_0 = arith.constant 0 : i32
    %c0_i32_1 = arith.constant 0 : i32
    return %c0_i32, %c0_i32_0 : i32, i32
  }
  func.func @transform_3(%arg0: i32) -> (i32, i32) {
    %c0_i32 = arith.constant 0 : i32
    %c0_i32_0 = arith.constant 0 : i32
    %c0_i32_1 = arith.constant 0 : i32
    return %c0_i32, %c0_i32_0 : i32, i32
  }
  func.func @transform_4(%arg0: i32) -> (i32, i32) {
    %c0_i32 = arith.constant 0 : i32
    %c0_i32_0 = arith.constant 0 : i32
    %c0_i32_1 = arith.constant 0 : i32
    return %c0_i32, %c0_i32_0 : i32, i32
  }
  func.func @transform_5(%arg0: i32) -> (i32, i32) {
    %c0_i32 = arith.constant 0 : i32
    %c0_i32_0 = arith.constant 0 : i32
    %c0_i32_1 = arith.constant 0 : i32
    return %c0_i32, %c0_i32_0 : i32, i32
  }
  func.func @transform_6(%arg0: i32) -> (i32, i32) {
    %c0_i32 = arith.constant 0 : i32
    %c0_i32_0 = arith.constant 0 : i32
    %c0_i32_1 = arith.constant 0 : i32
    return %c0_i32, %c0_i32_0 : i32, i32
  }
  func.func @transform_7(%arg0: i32) -> (i32, i32) {
    %c0_i32 = arith.constant 0 : i32
    %c0_i32_0 = arith.constant 0 : i32
    %c0_i32_1 = arith.constant 0 : i32
    return %c0_i32, %c0_i32_0 : i32, i32
  }
  func.func @transform_8(%arg0: i32) -> (i32, i32) {
    %c0_i32 = arith.constant 0 : i32
    %c0_i32_0 = arith.constant 0 : i32
    return %arg0, %c0_i32 : i32, i32
  }
}

module attributes {stable_mosaic.version = 14 : i64} {
  func.func @_pconv_block_kernel(%arg0: i32, %arg1: memref<640x3xf32, #tpu.memory_space<vmem>>, %arg2: memref<640x256xf32, #tpu.memory_space<vmem>>, %arg3: memref<3x16xf32, #tpu.memory_space<vmem>>, %arg4: memref<1x16xf32, #tpu.memory_space<vmem>>, %arg5: memref<16x16xf32, #tpu.memory_space<vmem>>, %arg6: memref<1x16xf32, #tpu.memory_space<vmem>>, %arg7: memref<4096x16xf32, #tpu.memory_space<vmem>>, %arg8: memref<1x16xf32, #tpu.memory_space<vmem>>, %arg9: memref<128x16xf32, #tpu.memory_space<vmem>>) attributes {dimension_semantics = [#tpu.dimension_semantics<arbitrary>], iteration_bounds = array<i64: 32>, scalar_prefetch = 0 : i64, scratch_operands = 0 : i64, tpu.core_type = #tpu.core_type<tc>, window_params = [{transform_indices = @transform_0, window_bounds = array<i64: 640, 3>}, {transform_indices = @transform_1, window_bounds = array<i64: 640, 256>}, {pipeline_mode = #tpu.pipeline_mode<synchronous>, transform_indices = @transform_2, window_bounds = array<i64: 3, 16>}, {pipeline_mode = #tpu.pipeline_mode<synchronous>, transform_indices = @transform_3, window_bounds = array<i64: 1, 16>}, {pipeline_mode = #tpu.pipeline_mode<synchronous>, transform_indices = @transform_4, window_bounds = array<i64: 16, 16>}, {pipeline_mode = #tpu.pipeline_mode<synchronous>, transform_indices = @transform_5, window_bounds = array<i64: 1, 16>}, {pipeline_mode = #tpu.pipeline_mode<synchronous>, transform_indices = @transform_6, window_bounds = array<i64: 4096, 16>}, {pipeline_mode = #tpu.pipeline_mode<synchronous>, transform_indices = @transform_7, window_bounds = array<i64: 1, 16>}, {transform_indices = @transform_8, window_bounds = array<i64: 128, 16>}]} {
    %get3A = arith.constant 0 : index
    %get3A_0 = arith.constant 0 : index
    %get3A_1 = vector.load %arg1[%get3A, %get3A_0] : memref<640x3xf32, #tpu.memory_space<vmem>>, vector<640x3xf32>
    %get3A_2 = arith.constant 0 : index
    %get3A_3 = arith.constant 0 : index
    %get3A_4 = vector.load %arg3[%get3A_2, %get3A_3] : memref<3x16xf32, #tpu.memory_space<vmem>>, vector<3x16xf32>
    %dot_general3A = arith.constant dense<0.000000e+00> : vector<640x16xf32>
    %dot_general3A_5 = tpu.matmul %get3A_1, %get3A_4, %dot_general3A {dimension_numbers = #tpu.dot_dimension_numbers<[1], [0], [0], [1], [0, 0, 1, 1], [], []>, transpose_lhs_hint = false} : vector<640x3xf32>, vector<3x16xf32>, vector<640x16xf32> -> vector<640x16xf32>
    %get3A_6 = arith.constant 0 : index
    %get3A_7 = arith.constant 0 : index
    %get3A_8 = vector.load %arg4[%get3A_6, %get3A_7] : memref<1x16xf32, #tpu.memory_space<vmem>>, vector<1x16xf32>
    %add3A = vector.broadcast %get3A_8 : vector<1x16xf32> to vector<640x16xf32>
    %add3A_9 = arith.addf %dot_general3A_5, %add3A : vector<640x16xf32>
    %max3A = arith.constant 0.000000e+00 : f32
    %max3A_10 = vector.broadcast %max3A : f32 to vector<640x16xf32>
    %max3A_11 = arith.maximumf %add3A_9, %max3A_10 : vector<640x16xf32>
    %get3A_12 = arith.constant 0 : index
    %get3A_13 = arith.constant 0 : index
    %get3A_14 = vector.load %arg5[%get3A_12, %get3A_13] : memref<16x16xf32, #tpu.memory_space<vmem>>, vector<16x16xf32>
    %dot_general3A_15 = arith.constant dense<0.000000e+00> : vector<640x16xf32>
    %dot_general3A_16 = tpu.matmul %max3A_11, %get3A_14, %dot_general3A_15 {dimension_numbers = #tpu.dot_dimension_numbers<[1], [0], [0], [1], [0, 0, 1, 1], [], []>, transpose_lhs_hint = false} : vector<640x16xf32>, vector<16x16xf32>, vector<640x16xf32> -> vector<640x16xf32>
    %get3A_17 = arith.constant 0 : index
    %get3A_18 = arith.constant 0 : index
    %get3A_19 = vector.load %arg6[%get3A_17, %get3A_18] : memref<1x16xf32, #tpu.memory_space<vmem>>, vector<1x16xf32>
    %add3A_20 = vector.broadcast %get3A_19 : vector<1x16xf32> to vector<640x16xf32>
    %add3A_21 = arith.addf %dot_general3A_16, %add3A_20 : vector<640x16xf32>
    %get3A_22 = arith.constant 0 : index
    %get3A_23 = arith.constant 0 : index
    %get3A_24 = vector.load %arg2[%get3A_22, %get3A_23] : memref<640x256xf32, #tpu.memory_space<vmem>>, vector<640x256xf32>
    %reshape3A = vector.shape_cast %get3A_24 : vector<640x256xf32> to vector<128x5x256xf32>
    %reshape3A_25 = vector.shape_cast %add3A_21 : vector<640x16xf32> to vector<128x5x16xf32>
    "tpu.trace_start"() <{level = 10 : i32, message = "bkc,bkm->bcm"}> : () -> ()
    %dot_general3A_26 = arith.constant dense<0.000000e+00> : vector<128x256x16xf32>
    %dot_general3A_27 = tpu.matmul %reshape3A, %reshape3A_25, %dot_general3A_26 {dimension_numbers = #tpu.dot_dimension_numbers<[1], [1], [2], [2], [0, 0, 0, 2, 1, 2], [0], [0]>, transpose_lhs_hint = false} : vector<128x5x256xf32>, vector<128x5x16xf32>, vector<128x256x16xf32> -> vector<128x256x16xf32>
    "tpu.trace_stop"() : () -> ()
    %mul3A = arith.constant 2.000000e-01 : f32
    %mul3A_28 = vector.broadcast %mul3A : f32 to vector<128x256x16xf32>
    %mul3A_29 = arith.mulf %dot_general3A_27, %mul3A_28 : vector<128x256x16xf32>
    %reshape3A_30 = vector.shape_cast %mul3A_29 : vector<128x256x16xf32> to vector<128x4096xf32>
    %get3A_31 = arith.constant 0 : index
    %get3A_32 = arith.constant 0 : index
    %get3A_33 = vector.load %arg7[%get3A_31, %get3A_32] : memref<4096x16xf32, #tpu.memory_space<vmem>>, vector<4096x16xf32>
    %dot_general3A_34 = arith.constant dense<0.000000e+00> : vector<128x16xf32>
    %dot_general3A_35 = tpu.matmul %reshape3A_30, %get3A_33, %dot_general3A_34 {dimension_numbers = #tpu.dot_dimension_numbers<[1], [0], [0], [1], [0, 0, 1, 1], [], []>, transpose_lhs_hint = false} : vector<128x4096xf32>, vector<4096x16xf32>, vector<128x16xf32> -> vector<128x16xf32>
    %get3A_36 = arith.constant 0 : index
    %get3A_37 = arith.constant 0 : index
    %get3A_38 = vector.load %arg8[%get3A_36, %get3A_37] : memref<1x16xf32, #tpu.memory_space<vmem>>, vector<1x16xf32>
    %add3A_39 = vector.broadcast %get3A_38 : vector<1x16xf32> to vector<128x16xf32>
    %add3A_40 = arith.addf %dot_general3A_35, %add3A_39 : vector<128x16xf32>
    %swap3A = arith.constant 0 : index
    %swap3A_41 = arith.constant 0 : index
    %swap3A_42 = vector.load %arg9[%swap3A, %swap3A_41] : memref<128x16xf32, #tpu.memory_space<vmem>>, vector<128x16xf32>
    tpu.vector_store %arg9[%swap3A, %swap3A_41], %add3A_40 {strides = array<i32>} : memref<128x16xf32, #tpu.memory_space<vmem>>, vector<128x16xf32>,
    return
  }
  func.func @transform_0(%arg0: i32) -> (i32, i32) {
    %c0_i32 = arith.constant 0 : i32
    %c0_i32_0 = arith.constant 0 : i32
    return %arg0, %c0_i32 : i32, i32
  }
  func.func @transform_1(%arg0: i32) -> (i32, i32) {
    %c0_i32 = arith.constant 0 : i32
    %c0_i32_0 = arith.constant 0 : i32
    return %arg0, %c0_i32 : i32, i32
  }
  func.func @transform_2(%arg0: i32) -> (i32, i32) {
    %c0_i32 = arith.constant 0 : i32
    %c0_i32_0 = arith.constant 0 : i32
    %c0_i32_1 = arith.constant 0 : i32
    return %c0_i32, %c0_i32_0 : i32, i32
  }
  func.func @transform_3(%arg0: i32) -> (i32, i32) {
    %c0_i32 = arith.constant 0 : i32
    %c0_i32_0 = arith.constant 0 : i32
    %c0_i32_1 = arith.constant 0 : i32
    return %c0_i32, %c0_i32_0 : i32, i32
  }
  func.func @transform_4(%arg0: i32) -> (i32, i32) {
    %c0_i32 = arith.constant 0 : i32
    %c0_i32_0 = arith.constant 0 : i32
    %c0_i32_1 = arith.constant 0 : i32
    return %c0_i32, %c0_i32_0 : i32, i32
  }
  func.func @transform_5(%arg0: i32) -> (i32, i32) {
    %c0_i32 = arith.constant 0 : i32
    %c0_i32_0 = arith.constant 0 : i32
    %c0_i32_1 = arith.constant 0 : i32
    return %c0_i32, %c0_i32_0 : i32, i32
  }
  func.func @transform_6(%arg0: i32) -> (i32, i32) {
    %c0_i32 = arith.constant 0 : i32
    %c0_i32_0 = arith.constant 0 : i32
    %c0_i32_1 = arith.constant 0 : i32
    return %c0_i32, %c0_i32_0 : i32, i32
  }
  func.func @transform_7(%arg0: i32) -> (i32, i32) {
    %c0_i32 = arith.constant 0 : i32
    %c0_i32_0 = arith.constant 0 : i32
    %c0_i32_1 = arith.constant 0 : i32
    return %c0_i32, %c0_i32_0 : i32, i32
  }
  func.func @transform_8(%arg0: i32) -> (i32, i32) {
    %c0_i32 = arith.constant 0 : i32
    %c0_i32_0 = arith.constant 0 : i32
    return %arg0, %c0_i32 : i32, i32
  }
}

module attributes {stable_mosaic.version = 14 : i64} {
  func.func @_pconv_block_kernel(%arg0: i32, %arg1: memref<640x3xf32, #tpu.memory_space<vmem>>, %arg2: memref<640x16xf32, #tpu.memory_space<vmem>>, %arg3: memref<3x16xf32, #tpu.memory_space<vmem>>, %arg4: memref<1x16xf32, #tpu.memory_space<vmem>>, %arg5: memref<16x16xf32, #tpu.memory_space<vmem>>, %arg6: memref<1x16xf32, #tpu.memory_space<vmem>>, %arg7: memref<256x32xf32, #tpu.memory_space<vmem>>, %arg8: memref<1x32xf32, #tpu.memory_space<vmem>>, %arg9: memref<128x32xf32, #tpu.memory_space<vmem>>) attributes {dimension_semantics = [#tpu.dimension_semantics<arbitrary>], iteration_bounds = array<i64: 32>, scalar_prefetch = 0 : i64, scratch_operands = 0 : i64, tpu.core_type = #tpu.core_type<tc>, window_params = [{transform_indices = @transform_0, window_bounds = array<i64: 640, 3>}, {transform_indices = @transform_1, window_bounds = array<i64: 640, 16>}, {pipeline_mode = #tpu.pipeline_mode<synchronous>, transform_indices = @transform_2, window_bounds = array<i64: 3, 16>}, {pipeline_mode = #tpu.pipeline_mode<synchronous>, transform_indices = @transform_3, window_bounds = array<i64: 1, 16>}, {pipeline_mode = #tpu.pipeline_mode<synchronous>, transform_indices = @transform_4, window_bounds = array<i64: 16, 16>}, {pipeline_mode = #tpu.pipeline_mode<synchronous>, transform_indices = @transform_5, window_bounds = array<i64: 1, 16>}, {pipeline_mode = #tpu.pipeline_mode<synchronous>, transform_indices = @transform_6, window_bounds = array<i64: 256, 32>}, {pipeline_mode = #tpu.pipeline_mode<synchronous>, transform_indices = @transform_7, window_bounds = array<i64: 1, 32>}, {transform_indices = @transform_8, window_bounds = array<i64: 128, 32>}]} {
    %get3A = arith.constant 0 : index
    %get3A_0 = arith.constant 0 : index
    %get3A_1 = vector.load %arg1[%get3A, %get3A_0] : memref<640x3xf32, #tpu.memory_space<vmem>>, vector<640x3xf32>
    %get3A_2 = arith.constant 0 : index
    %get3A_3 = arith.constant 0 : index
    %get3A_4 = vector.load %arg3[%get3A_2, %get3A_3] : memref<3x16xf32, #tpu.memory_space<vmem>>, vector<3x16xf32>
    %dot_general3A = arith.constant dense<0.000000e+00> : vector<640x16xf32>
    %dot_general3A_5 = tpu.matmul %get3A_1, %get3A_4, %dot_general3A {dimension_numbers = #tpu.dot_dimension_numbers<[1], [0], [0], [1], [0, 0, 1, 1], [], []>, transpose_lhs_hint = false} : vector<640x3xf32>, vector<3x16xf32>, vector<640x16xf32> -> vector<640x16xf32>
    %get3A_6 = arith.constant 0 : index
    %get3A_7 = arith.constant 0 : index
    %get3A_8 = vector.load %arg4[%get3A_6, %get3A_7] : memref<1x16xf32, #tpu.memory_space<vmem>>, vector<1x16xf32>
    %add3A = vector.broadcast %get3A_8 : vector<1x16xf32> to vector<640x16xf32>
    %add3A_9 = arith.addf %dot_general3A_5, %add3A : vector<640x16xf32>
    %max3A = arith.constant 0.000000e+00 : f32
    %max3A_10 = vector.broadcast %max3A : f32 to vector<640x16xf32>
    %max3A_11 = arith.maximumf %add3A_9, %max3A_10 : vector<640x16xf32>
    %get3A_12 = arith.constant 0 : index
    %get3A_13 = arith.constant 0 : index
    %get3A_14 = vector.load %arg5[%get3A_12, %get3A_13] : memref<16x16xf32, #tpu.memory_space<vmem>>, vector<16x16xf32>
    %dot_general3A_15 = arith.constant dense<0.000000e+00> : vector<640x16xf32>
    %dot_general3A_16 = tpu.matmul %max3A_11, %get3A_14, %dot_general3A_15 {dimension_numbers = #tpu.dot_dimension_numbers<[1], [0], [0], [1], [0, 0, 1, 1], [], []>, transpose_lhs_hint = false} : vector<640x16xf32>, vector<16x16xf32>, vector<640x16xf32> -> vector<640x16xf32>
    %get3A_17 = arith.constant 0 : index
    %get3A_18 = arith.constant 0 : index
    %get3A_19 = vector.load %arg6[%get3A_17, %get3A_18] : memref<1x16xf32, #tpu.memory_space<vmem>>, vector<1x16xf32>
    %add3A_20 = vector.broadcast %get3A_19 : vector<1x16xf32> to vector<640x16xf32>
    %add3A_21 = arith.addf %dot_general3A_16, %add3A_20 : vector<640x16xf32>
    %get3A_22 = arith.constant 0 : index
    %get3A_23 = arith.constant 0 : index
    %get3A_24 = vector.load %arg2[%get3A_22, %get3A_23] : memref<640x16xf32, #tpu.memory_space<vmem>>, vector<640x16xf32>
    %reshape3A = vector.shape_cast %get3A_24 : vector<640x16xf32> to vector<128x5x16xf32>
    %reshape3A_25 = vector.shape_cast %add3A_21 : vector<640x16xf32> to vector<128x5x16xf32>
    "tpu.trace_start"() <{level = 10 : i32, message = "bkc,bkm->bcm"}> : () -> ()
    %dot_general3A_26 = arith.constant dense<0.000000e+00> : vector<128x16x16xf32>
    %dot_general3A_27 = tpu.matmul %reshape3A, %reshape3A_25, %dot_general3A_26 {dimension_numbers = #tpu.dot_dimension_numbers<[1], [1], [2], [2], [0, 0, 0, 2, 1, 2], [0], [0]>, transpose_lhs_hint = false} : vector<128x5x16xf32>, vector<128x5x16xf32>, vector<128x16x16xf32> -> vector<128x16x16xf32>
    "tpu.trace_stop"() : () -> ()
    %mul3A = arith.constant 2.000000e-01 : f32
    %mul3A_28 = vector.broadcast %mul3A : f32 to vector<128x16x16xf32>
    %mul3A_29 = arith.mulf %dot_general3A_27, %mul3A_28 : vector<128x16x16xf32>
    %reshape3A_30 = vector.shape_cast %mul3A_29 : vector<128x16x16xf32> to vector<128x256xf32>
    %get3A_31 = arith.constant 0 : index
    %get3A_32 = arith.constant 0 : index
    %get3A_33 = vector.load %arg7[%get3A_31, %get3A_32] : memref<256x32xf32, #tpu.memory_space<vmem>>, vector<256x32xf32>
    %dot_general3A_34 = arith.constant dense<0.000000e+00> : vector<128x32xf32>
    %dot_general3A_35 = tpu.matmul %reshape3A_30, %get3A_33, %dot_general3A_34 {dimension_numbers = #tpu.dot_dimension_numbers<[1], [0], [0], [1], [0, 0, 1, 1], [], []>, transpose_lhs_hint = false} : vector<128x256xf32>, vector<256x32xf32>, vector<128x32xf32> -> vector<128x32xf32>
    %get3A_36 = arith.constant 0 : index
    %get3A_37 = arith.constant 0 : index
    %get3A_38 = vector.load %arg8[%get3A_36, %get3A_37] : memref<1x32xf32, #tpu.memory_space<vmem>>, vector<1x32xf32>
    %add3A_39 = vector.broadcast %get3A_38 : vector<1x32xf32> to vector<128x32xf32>
    %add3A_40 = arith.addf %dot_general3A_35, %add3A_39 : vector<128x32xf32>
    %swap3A = arith.constant 0 : index
    %swap3A_41 = arith.constant 0 : index
    %swap3A_42 = vector.load %arg9[%swap3A, %swap3A_41] : memref<128x32xf32, #tpu.memory_space<vmem>>, vector<128x32xf32>
    tpu.vector_store %arg9[%swap3A, %swap3A_41], %add3A_40 {strides = array<i32>} : memref<128x32xf32, #tpu.memory_space<vmem>>, vector<128x32xf32>,
    return
  }
  func.func @transform_0(%arg0: i32) -> (i32, i32) {
    %c0_i32 = arith.constant 0 : i32
    %c0_i32_0 = arith.constant 0 : i32
    return %arg0, %c0_i32 : i32, i32
  }
  func.func @transform_1(%arg0: i32) -> (i32, i32) {
    %c0_i32 = arith.constant 0 : i32
    %c0_i32_0 = arith.constant 0 : i32
    return %arg0, %c0_i32 : i32, i32
  }
  func.func @transform_2(%arg0: i32) -> (i32, i32) {
    %c0_i32 = arith.constant 0 : i32
    %c0_i32_0 = arith.constant 0 : i32
    %c0_i32_1 = arith.constant 0 : i32
    return %c0_i32, %c0_i32_0 : i32, i32
  }
  func.func @transform_3(%arg0: i32) -> (i32, i32) {
    %c0_i32 = arith.constant 0 : i32
    %c0_i32_0 = arith.constant 0 : i32
    %c0_i32_1 = arith.constant 0 : i32
    return %c0_i32, %c0_i32_0 : i32, i32
  }
  func.func @transform_4(%arg0: i32) -> (i32, i32) {
    %c0_i32 = arith.constant 0 : i32
    %c0_i32_0 = arith.constant 0 : i32
    %c0_i32_1 = arith.constant 0 : i32
    return %c0_i32, %c0_i32_0 : i32, i32
  }
  func.func @transform_5(%arg0: i32) -> (i32, i32) {
    %c0_i32 = arith.constant 0 : i32
    %c0_i32_0 = arith.constant 0 : i32
    %c0_i32_1 = arith.constant 0 : i32
    return %c0_i32, %c0_i32_0 : i32, i32
  }
  func.func @transform_6(%arg0: i32) -> (i32, i32) {
    %c0_i32 = arith.constant 0 : i32
    %c0_i32_0 = arith.constant 0 : i32
    %c0_i32_1 = arith.constant 0 : i32
    return %c0_i32, %c0_i32_0 : i32, i32
  }
  func.func @transform_7(%arg0: i32) -> (i32, i32) {
    %c0_i32 = arith.constant 0 : i32
    %c0_i32_0 = arith.constant 0 : i32
    %c0_i32_1 = arith.constant 0 : i32
    return %c0_i32, %c0_i32_0 : i32, i32
  }
  func.func @transform_8(%arg0: i32) -> (i32, i32) {
    %c0_i32 = arith.constant 0 : i32
    %c0_i32_0 = arith.constant 0 : i32
    return %arg0, %c0_i32 : i32, i32
  }
}

module attributes {stable_mosaic.version = 14 : i64} {
  func.func @_pconv_block_kernel(%arg0: i32, %arg1: memref<640x3xf32, #tpu.memory_space<vmem>>, %arg2: memref<640x32xf32, #tpu.memory_space<vmem>>, %arg3: memref<3x16xf32, #tpu.memory_space<vmem>>, %arg4: memref<1x16xf32, #tpu.memory_space<vmem>>, %arg5: memref<16x16xf32, #tpu.memory_space<vmem>>, %arg6: memref<1x16xf32, #tpu.memory_space<vmem>>, %arg7: memref<512x16xf32, #tpu.memory_space<vmem>>, %arg8: memref<1x16xf32, #tpu.memory_space<vmem>>, %arg9: memref<128x16xf32, #tpu.memory_space<vmem>>) attributes {dimension_semantics = [#tpu.dimension_semantics<arbitrary>], iteration_bounds = array<i64: 32>, scalar_prefetch = 0 : i64, scratch_operands = 0 : i64, tpu.core_type = #tpu.core_type<tc>, window_params = [{transform_indices = @transform_0, window_bounds = array<i64: 640, 3>}, {transform_indices = @transform_1, window_bounds = array<i64: 640, 32>}, {pipeline_mode = #tpu.pipeline_mode<synchronous>, transform_indices = @transform_2, window_bounds = array<i64: 3, 16>}, {pipeline_mode = #tpu.pipeline_mode<synchronous>, transform_indices = @transform_3, window_bounds = array<i64: 1, 16>}, {pipeline_mode = #tpu.pipeline_mode<synchronous>, transform_indices = @transform_4, window_bounds = array<i64: 16, 16>}, {pipeline_mode = #tpu.pipeline_mode<synchronous>, transform_indices = @transform_5, window_bounds = array<i64: 1, 16>}, {pipeline_mode = #tpu.pipeline_mode<synchronous>, transform_indices = @transform_6, window_bounds = array<i64: 512, 16>}, {pipeline_mode = #tpu.pipeline_mode<synchronous>, transform_indices = @transform_7, window_bounds = array<i64: 1, 16>}, {transform_indices = @transform_8, window_bounds = array<i64: 128, 16>}]} {
    %get3A = arith.constant 0 : index
    %get3A_0 = arith.constant 0 : index
    %get3A_1 = vector.load %arg1[%get3A, %get3A_0] : memref<640x3xf32, #tpu.memory_space<vmem>>, vector<640x3xf32>
    %get3A_2 = arith.constant 0 : index
    %get3A_3 = arith.constant 0 : index
    %get3A_4 = vector.load %arg3[%get3A_2, %get3A_3] : memref<3x16xf32, #tpu.memory_space<vmem>>, vector<3x16xf32>
    %dot_general3A = arith.constant dense<0.000000e+00> : vector<640x16xf32>
    %dot_general3A_5 = tpu.matmul %get3A_1, %get3A_4, %dot_general3A {dimension_numbers = #tpu.dot_dimension_numbers<[1], [0], [0], [1], [0, 0, 1, 1], [], []>, transpose_lhs_hint = false} : vector<640x3xf32>, vector<3x16xf32>, vector<640x16xf32> -> vector<640x16xf32>
    %get3A_6 = arith.constant 0 : index
    %get3A_7 = arith.constant 0 : index
    %get3A_8 = vector.load %arg4[%get3A_6, %get3A_7] : memref<1x16xf32, #tpu.memory_space<vmem>>, vector<1x16xf32>
    %add3A = vector.broadcast %get3A_8 : vector<1x16xf32> to vector<640x16xf32>
    %add3A_9 = arith.addf %dot_general3A_5, %add3A : vector<640x16xf32>
    %max3A = arith.constant 0.000000e+00 : f32
    %max3A_10 = vector.broadcast %max3A : f32 to vector<640x16xf32>
    %max3A_11 = arith.maximumf %add3A_9, %max3A_10 : vector<640x16xf32>
    %get3A_12 = arith.constant 0 : index
    %get3A_13 = arith.constant 0 : index
    %get3A_14 = vector.load %arg5[%get3A_12, %get3A_13] : memref<16x16xf32, #tpu.memory_space<vmem>>, vector<16x16xf32>
    %dot_general3A_15 = arith.constant dense<0.000000e+00> : vector<640x16xf32>
    %dot_general3A_16 = tpu.matmul %max3A_11, %get3A_14, %dot_general3A_15 {dimension_numbers = #tpu.dot_dimension_numbers<[1], [0], [0], [1], [0, 0, 1, 1], [], []>, transpose_lhs_hint = false} : vector<640x16xf32>, vector<16x16xf32>, vector<640x16xf32> -> vector<640x16xf32>
    %get3A_17 = arith.constant 0 : index
    %get3A_18 = arith.constant 0 : index
    %get3A_19 = vector.load %arg6[%get3A_17, %get3A_18] : memref<1x16xf32, #tpu.memory_space<vmem>>, vector<1x16xf32>
    %add3A_20 = vector.broadcast %get3A_19 : vector<1x16xf32> to vector<640x16xf32>
    %add3A_21 = arith.addf %dot_general3A_16, %add3A_20 : vector<640x16xf32>
    %get3A_22 = arith.constant 0 : index
    %get3A_23 = arith.constant 0 : index
    %get3A_24 = vector.load %arg2[%get3A_22, %get3A_23] : memref<640x32xf32, #tpu.memory_space<vmem>>, vector<640x32xf32>
    %reshape3A = vector.shape_cast %get3A_24 : vector<640x32xf32> to vector<128x5x32xf32>
    %reshape3A_25 = vector.shape_cast %add3A_21 : vector<640x16xf32> to vector<128x5x16xf32>
    "tpu.trace_start"() <{level = 10 : i32, message = "bkc,bkm->bcm"}> : () -> ()
    %dot_general3A_26 = arith.constant dense<0.000000e+00> : vector<128x32x16xf32>
    %dot_general3A_27 = tpu.matmul %reshape3A, %reshape3A_25, %dot_general3A_26 {dimension_numbers = #tpu.dot_dimension_numbers<[1], [1], [2], [2], [0, 0, 0, 2, 1, 2], [0], [0]>, transpose_lhs_hint = false} : vector<128x5x32xf32>, vector<128x5x16xf32>, vector<128x32x16xf32> -> vector<128x32x16xf32>
    "tpu.trace_stop"() : () -> ()
    %mul3A = arith.constant 2.000000e-01 : f32
    %mul3A_28 = vector.broadcast %mul3A : f32 to vector<128x32x16xf32>
    %mul3A_29 = arith.mulf %dot_general3A_27, %mul3A_28 : vector<128x32x16xf32>
    %reshape3A_30 = vector.shape_cast %mul3A_29 : vector<128x32x16xf32> to vector<128x512xf32>
    %get3A_31 = arith.constant 0 : index
    %get3A_32 = arith.constant 0 : index
    %get3A_33 = vector.load %arg7[%get3A_31, %get3A_32] : memref<512x16xf32, #tpu.memory_space<vmem>>, vector<512x16xf32>
    %dot_general3A_34 = arith.constant dense<0.000000e+00> : vector<128x16xf32>
    %dot_general3A_35 = tpu.matmul %reshape3A_30, %get3A_33, %dot_general3A_34 {dimension_numbers = #tpu.dot_dimension_numbers<[1], [0], [0], [1], [0, 0, 1, 1], [], []>, transpose_lhs_hint = false} : vector<128x512xf32>, vector<512x16xf32>, vector<128x16xf32> -> vector<128x16xf32>
    %get3A_36 = arith.constant 0 : index
    %get3A_37 = arith.constant 0 : index
    %get3A_38 = vector.load %arg8[%get3A_36, %get3A_37] : memref<1x16xf32, #tpu.memory_space<vmem>>, vector<1x16xf32>
    %add3A_39 = vector.broadcast %get3A_38 : vector<1x16xf32> to vector<128x16xf32>
    %add3A_40 = arith.addf %dot_general3A_35, %add3A_39 : vector<128x16xf32>
    %swap3A = arith.constant 0 : index
    %swap3A_41 = arith.constant 0 : index
    %swap3A_42 = vector.load %arg9[%swap3A, %swap3A_41] : memref<128x16xf32, #tpu.memory_space<vmem>>, vector<128x16xf32>
    tpu.vector_store %arg9[%swap3A, %swap3A_41], %add3A_40 {strides = array<i32>} : memref<128x16xf32, #tpu.memory_space<vmem>>, vector<128x16xf32>,
    return
  }
  func.func @transform_0(%arg0: i32) -> (i32, i32) {
    %c0_i32 = arith.constant 0 : i32
    %c0_i32_0 = arith.constant 0 : i32
    return %arg0, %c0_i32 : i32, i32
  }
  func.func @transform_1(%arg0: i32) -> (i32, i32) {
    %c0_i32 = arith.constant 0 : i32
    %c0_i32_0 = arith.constant 0 : i32
    return %arg0, %c0_i32 : i32, i32
  }
  func.func @transform_2(%arg0: i32) -> (i32, i32) {
    %c0_i32 = arith.constant 0 : i32
    %c0_i32_0 = arith.constant 0 : i32
    %c0_i32_1 = arith.constant 0 : i32
    return %c0_i32, %c0_i32_0 : i32, i32
  }
  func.func @transform_3(%arg0: i32) -> (i32, i32) {
    %c0_i32 = arith.constant 0 : i32
    %c0_i32_0 = arith.constant 0 : i32
    %c0_i32_1 = arith.constant 0 : i32
    return %c0_i32, %c0_i32_0 : i32, i32
  }
  func.func @transform_4(%arg0: i32) -> (i32, i32) {
    %c0_i32 = arith.constant 0 : i32
    %c0_i32_0 = arith.constant 0 : i32
    %c0_i32_1 = arith.constant 0 : i32
    return %c0_i32, %c0_i32_0 : i32, i32
  }
  func.func @transform_5(%arg0: i32) -> (i32, i32) {
    %c0_i32 = arith.constant 0 : i32
    %c0_i32_0 = arith.constant 0 : i32
    %c0_i32_1 = arith.constant 0 : i32
    return %c0_i32, %c0_i32_0 : i32, i32
  }
  func.func @transform_6(%arg0: i32) -> (i32, i32) {
    %c0_i32 = arith.constant 0 : i32
    %c0_i32_0 = arith.constant 0 : i32
    %c0_i32_1 = arith.constant 0 : i32
    return %c0_i32, %c0_i32_0 : i32, i32
  }
  func.func @transform_7(%arg0: i32) -> (i32, i32) {
    %c0_i32 = arith.constant 0 : i32
    %c0_i32_0 = arith.constant 0 : i32
    %c0_i32_1 = arith.constant 0 : i32
    return %c0_i32, %c0_i32_0 : i32, i32
  }
  func.func @transform_8(%arg0: i32) -> (i32, i32) {
    %c0_i32 = arith.constant 0 : i32
    %c0_i32_0 = arith.constant 0 : i32
    return %arg0, %c0_i32 : i32, i32
  }
}

module attributes {stable_mosaic.version = 14 : i64} {
  func.func @_pconv_block_kernel(%arg0: i32, %arg1: memref<640x3xf32, #tpu.memory_space<vmem>>, %arg2: memref<640x16xf32, #tpu.memory_space<vmem>>, %arg3: memref<3x16xf32, #tpu.memory_space<vmem>>, %arg4: memref<1x16xf32, #tpu.memory_space<vmem>>, %arg5: memref<16x16xf32, #tpu.memory_space<vmem>>, %arg6: memref<1x16xf32, #tpu.memory_space<vmem>>, %arg7: memref<256x2xf32, #tpu.memory_space<vmem>>, %arg8: memref<1x2xf32, #tpu.memory_space<vmem>>, %arg9: memref<128x2xf32, #tpu.memory_space<vmem>>) attributes {dimension_semantics = [#tpu.dimension_semantics<arbitrary>], iteration_bounds = array<i64: 32>, scalar_prefetch = 0 : i64, scratch_operands = 0 : i64, tpu.core_type = #tpu.core_type<tc>, window_params = [{transform_indices = @transform_0, window_bounds = array<i64: 640, 3>}, {transform_indices = @transform_1, window_bounds = array<i64: 640, 16>}, {pipeline_mode = #tpu.pipeline_mode<synchronous>, transform_indices = @transform_2, window_bounds = array<i64: 3, 16>}, {pipeline_mode = #tpu.pipeline_mode<synchronous>, transform_indices = @transform_3, window_bounds = array<i64: 1, 16>}, {pipeline_mode = #tpu.pipeline_mode<synchronous>, transform_indices = @transform_4, window_bounds = array<i64: 16, 16>}, {pipeline_mode = #tpu.pipeline_mode<synchronous>, transform_indices = @transform_5, window_bounds = array<i64: 1, 16>}, {pipeline_mode = #tpu.pipeline_mode<synchronous>, transform_indices = @transform_6, window_bounds = array<i64: 256, 2>}, {pipeline_mode = #tpu.pipeline_mode<synchronous>, transform_indices = @transform_7, window_bounds = array<i64: 1, 2>}, {transform_indices = @transform_8, window_bounds = array<i64: 128, 2>}]} {
    %get3A = arith.constant 0 : index
    %get3A_0 = arith.constant 0 : index
    %get3A_1 = vector.load %arg1[%get3A, %get3A_0] : memref<640x3xf32, #tpu.memory_space<vmem>>, vector<640x3xf32>
    %get3A_2 = arith.constant 0 : index
    %get3A_3 = arith.constant 0 : index
    %get3A_4 = vector.load %arg3[%get3A_2, %get3A_3] : memref<3x16xf32, #tpu.memory_space<vmem>>, vector<3x16xf32>
    %dot_general3A = arith.constant dense<0.000000e+00> : vector<640x16xf32>
    %dot_general3A_5 = tpu.matmul %get3A_1, %get3A_4, %dot_general3A {dimension_numbers = #tpu.dot_dimension_numbers<[1], [0], [0], [1], [0, 0, 1, 1], [], []>, transpose_lhs_hint = false} : vector<640x3xf32>, vector<3x16xf32>, vector<640x16xf32> -> vector<640x16xf32>
    %get3A_6 = arith.constant 0 : index
    %get3A_7 = arith.constant 0 : index
    %get3A_8 = vector.load %arg4[%get3A_6, %get3A_7] : memref<1x16xf32, #tpu.memory_space<vmem>>, vector<1x16xf32>
    %add3A = vector.broadcast %get3A_8 : vector<1x16xf32> to vector<640x16xf32>
    %add3A_9 = arith.addf %dot_general3A_5, %add3A : vector<640x16xf32>
    %max3A = arith.constant 0.000000e+00 : f32
    %max3A_10 = vector.broadcast %max3A : f32 to vector<640x16xf32>
    %max3A_11 = arith.maximumf %add3A_9, %max3A_10 : vector<640x16xf32>
    %get3A_12 = arith.constant 0 : index
    %get3A_13 = arith.constant 0 : index
    %get3A_14 = vector.load %arg5[%get3A_12, %get3A_13] : memref<16x16xf32, #tpu.memory_space<vmem>>, vector<16x16xf32>
    %dot_general3A_15 = arith.constant dense<0.000000e+00> : vector<640x16xf32>
    %dot_general3A_16 = tpu.matmul %max3A_11, %get3A_14, %dot_general3A_15 {dimension_numbers = #tpu.dot_dimension_numbers<[1], [0], [0], [1], [0, 0, 1, 1], [], []>, transpose_lhs_hint = false} : vector<640x16xf32>, vector<16x16xf32>, vector<640x16xf32> -> vector<640x16xf32>
    %get3A_17 = arith.constant 0 : index
    %get3A_18 = arith.constant 0 : index
    %get3A_19 = vector.load %arg6[%get3A_17, %get3A_18] : memref<1x16xf32, #tpu.memory_space<vmem>>, vector<1x16xf32>
    %add3A_20 = vector.broadcast %get3A_19 : vector<1x16xf32> to vector<640x16xf32>
    %add3A_21 = arith.addf %dot_general3A_16, %add3A_20 : vector<640x16xf32>
    %get3A_22 = arith.constant 0 : index
    %get3A_23 = arith.constant 0 : index
    %get3A_24 = vector.load %arg2[%get3A_22, %get3A_23] : memref<640x16xf32, #tpu.memory_space<vmem>>, vector<640x16xf32>
    %reshape3A = vector.shape_cast %get3A_24 : vector<640x16xf32> to vector<128x5x16xf32>
    %reshape3A_25 = vector.shape_cast %add3A_21 : vector<640x16xf32> to vector<128x5x16xf32>
    "tpu.trace_start"() <{level = 10 : i32, message = "bkc,bkm->bcm"}> : () -> ()
    %dot_general3A_26 = arith.constant dense<0.000000e+00> : vector<128x16x16xf32>
    %dot_general3A_27 = tpu.matmul %reshape3A, %reshape3A_25, %dot_general3A_26 {dimension_numbers = #tpu.dot_dimension_numbers<[1], [1], [2], [2], [0, 0, 0, 2, 1, 2], [0], [0]>, transpose_lhs_hint = false} : vector<128x5x16xf32>, vector<128x5x16xf32>, vector<128x16x16xf32> -> vector<128x16x16xf32>
    "tpu.trace_stop"() : () -> ()
    %mul3A = arith.constant 2.000000e-01 : f32
    %mul3A_28 = vector.broadcast %mul3A : f32 to vector<128x16x16xf32>
    %mul3A_29 = arith.mulf %dot_general3A_27, %mul3A_28 : vector<128x16x16xf32>
    %reshape3A_30 = vector.shape_cast %mul3A_29 : vector<128x16x16xf32> to vector<128x256xf32>
    %get3A_31 = arith.constant 0 : index
    %get3A_32 = arith.constant 0 : index
    %get3A_33 = vector.load %arg7[%get3A_31, %get3A_32] : memref<256x2xf32, #tpu.memory_space<vmem>>, vector<256x2xf32>
    %dot_general3A_34 = arith.constant dense<0.000000e+00> : vector<128x2xf32>
    %dot_general3A_35 = tpu.matmul %reshape3A_30, %get3A_33, %dot_general3A_34 {dimension_numbers = #tpu.dot_dimension_numbers<[1], [0], [0], [1], [0, 0, 1, 1], [], []>, transpose_lhs_hint = false} : vector<128x256xf32>, vector<256x2xf32>, vector<128x2xf32> -> vector<128x2xf32>
    %get3A_36 = arith.constant 0 : index
    %get3A_37 = arith.constant 0 : index
    %get3A_38 = vector.load %arg8[%get3A_36, %get3A_37] : memref<1x2xf32, #tpu.memory_space<vmem>>, vector<1x2xf32>
    %add3A_39 = vector.broadcast %get3A_38 : vector<1x2xf32> to vector<128x2xf32>
    %add3A_40 = arith.addf %dot_general3A_35, %add3A_39 : vector<128x2xf32>
    %swap3A = arith.constant 0 : index
    %swap3A_41 = arith.constant 0 : index
    %swap3A_42 = vector.load %arg9[%swap3A, %swap3A_41] : memref<128x2xf32, #tpu.memory_space<vmem>>, vector<128x2xf32>
    tpu.vector_store %arg9[%swap3A, %swap3A_41], %add3A_40 {strides = array<i32>} : memref<128x2xf32, #tpu.memory_space<vmem>>, vector<128x2xf32>,
    return
  }
  func.func @transform_0(%arg0: i32) -> (i32, i32) {
    %c0_i32 = arith.constant 0 : i32
    %c0_i32_0 = arith.constant 0 : i32
    return %arg0, %c0_i32 : i32, i32
  }
  func.func @transform_1(%arg0: i32) -> (i32, i32) {
    %c0_i32 = arith.constant 0 : i32
    %c0_i32_0 = arith.constant 0 : i32
    return %arg0, %c0_i32 : i32, i32
  }
  func.func @transform_2(%arg0: i32) -> (i32, i32) {
    %c0_i32 = arith.constant 0 : i32
    %c0_i32_0 = arith.constant 0 : i32
    %c0_i32_1 = arith.constant 0 : i32
    return %c0_i32, %c0_i32_0 : i32, i32
  }
  func.func @transform_3(%arg0: i32) -> (i32, i32) {
    %c0_i32 = arith.constant 0 : i32
    %c0_i32_0 = arith.constant 0 : i32
    %c0_i32_1 = arith.constant 0 : i32
    return %c0_i32, %c0_i32_0 : i32, i32
  }
  func.func @transform_4(%arg0: i32) -> (i32, i32) {
    %c0_i32 = arith.constant 0 : i32
    %c0_i32_0 = arith.constant 0 : i32
    %c0_i32_1 = arith.constant 0 : i32
    return %c0_i32, %c0_i32_0 : i32, i32
  }
  func.func @transform_5(%arg0: i32) -> (i32, i32) {
    %c0_i32 = arith.constant 0 : i32
    %c0_i32_0 = arith.constant 0 : i32
    %c0_i32_1 = arith.constant 0 : i32
    return %c0_i32, %c0_i32_0 : i32, i32
  }
  func.func @transform_6(%arg0: i32) -> (i32, i32) {
    %c0_i32 = arith.constant 0 : i32
    %c0_i32_0 = arith.constant 0 : i32
    %c0_i32_1 = arith.constant 0 : i32
    return %c0_i32, %c0_i32_0 : i32, i32
  }
  func.func @transform_7(%arg0: i32) -> (i32, i32) {
    %c0_i32 = arith.constant 0 : i32
    %c0_i32_0 = arith.constant 0 : i32
    %c0_i32_1 = arith.constant 0 : i32
    return %c0_i32, %c0_i32_0 : i32, i32
  }
  func.func @transform_8(%arg0: i32) -> (i32, i32) {
    %c0_i32 = arith.constant 0 : i32
    %c0_i32_0 = arith.constant 0 : i32
    return %arg0, %c0_i32 : i32, i32
  }
}

</mosaic_0001>

<sc_bundles>
// kernel: sparse-core-data-format-call.cloned.1.call-start
scs
called_computation_lowered:
.L_overlay_start_0:
0x0: {  	s1 =	sld [smem:$0x3FD9]  }
0x1: {  	s2 =	sld [smem:$0x3FFE];
	_ =	sdelay $0x1  }
0x2: {  	s3 =	srdreg.scid  }
0x3: {  	s0 =	sand.u32 $0x1, s3  }
0x4: {  	s17 =	sshll.u32 s0, $0xA;
	s1 =	sadd.s32 s2, s1  }
0x5: {  	s1 =	sadd.s32 s1, s17  }
0x6: {  	[smem:$0x3F9D] =	sst s1  }
0x7: {  	_ = 	snop  }
0x8: {  	(tm) =	ssettm $0x1  }
0x9: {  	s18 =	sld [smem:$0x3FFB];
	_ =	sdelay $0x3  }
0xa: {  	_ =	strace s18  }
0xb: {  	s1 =	sld [smem:$0x3FFC];
	_ =	sdelay $0x3  }
0xc: {  	_ =	strace s1  }
0xd: {  	s1 =	sld [smem:$0x3FFD];
	_ =	sdelay $0x3  }
0xe: {  	_ =	strace s1  }
0xf: {  	_ =	strace $0x8FFFFFFF  }
0x10: {  	s19 =	sld [smem:$0x3FDB];
	_ =	sdelay $0x1  }
0x11: {  	s20 =	simm.s32 $_scs_section_size  }
0x12: {  	s4 =	simm.s32 $_size__tile_overlayer_lowered;
	s5 =	simm.s32 $_tile_overlayer_lowered  }
0x13: {  	s23 =	simm.s32 $0x1BFF;
	s22 =	sshll.u32 s5, $0x1;
	s1 =	sadd.s32 s20, s19  }
0x14: {  	s6 =	simm.s32 $0x0;
	s21 =	sshll.u32 s4, $0x1;
	s4 =	sadd.s32 s22, s1  }
0x15: {  	[timem:s6], [sflag:s23] =	dma.local [hbm:s4], s21  }
0x16: {  	_ =	swait.ge [sflag:s23], s21  }
0x17: {  	s2 =	ssub.s32 $0x0, s21;
	[sflag:s23] =	ssyncset.done $0x0  }
0x18: {  	[sflag:s23] =	ssyncadd.s32 s2;
	_ =	sdelay $0x1  }
0x19: {  	s24 =	simm.s32 $0x1B8B  }
0x1a: {  	_ =	swait.ge [sflag:s24], $0x1  }
0x1b: {  	[sflag:s24] =	ssyncset.done $0x0  }
0x1c: {  	s26 =	simm.s32 $0x1B8E;
	s25 =	sld [smem:$0x3FFE];
	[sflag:s24] =	ssyncadd.s32 $0xFFFFFFFF  }
0x1d: {  	s27 =	simm.s32 $execute0_lowered;
	[smem:$0x3FD2] =	sst s26  }
0x1e: {  	s4 =	sshll.u32 s27, $0x1;
	_ =	strace $0x80000046;
	[dreg:$0x1] =	wrdreg $0xFFFFFFFF  }
0x1f: {  	s28 =	simm.s32 $_size_execute0_lowered;
	s1 =	sadd.s32 s1, s4;
	[dreg:$0x0] =	wrdreg $0x0  }
0x20: {  	s4 =	sshll.u32 s28, $0x1;
	[dreg:$0x2] =	wrdreg s1  }
0x21: {  	[dreg:$0x3] =	wrdreg s4  }
0x22: {  	[dreg:$0x4] =	wrdreg $0xC0  }
0x23: {  	_ =	task [dreg:s6], $0x5FFFF  }
0x24: {  	[dreg:$0x1] =	wrdreg $0xFFFFFFFF  }
0x25: {  	[dreg:$0x0] =	wrdreg $0x60  }
0x26: {  	[dreg:$0x2] =	wrdreg s25  }
0x27: {  	[dreg:$0x3] =	wrdreg $0x9  }
0x28: {  	_ =	task.clear_ibuf [dreg:s6], $0x4FFFF;
	_ =	strace $0x90000046  }
0x29: {  	s29 =	simm.s32 $0x9;
	_ =	strace $0x80000048  }
0x2a: {  	_ =	swait.ge [sflag:s29], $0x1  }
0x2b: {  	[sflag:s29] =	ssyncadd.s32 $0xFFFFFFFF  }
0x2c: {  	_ =	strace $0x90000048  }
0x2d: {  	_ =	sfence  }
0x2e: {  	s30 =	sld [smem:$0x0];
	_ =	sdelay $0x2  }
0x2f: {  	s31 =	sshll.u32 s3, $0xD;
	s3 =	sshrl.u32 s3, $0x2  }
0x30: {  	s2 =	sand.u32 $0x4000, s31;
	s1 =	sadd.s32 s3, s30  }
0x31: {  	s0 =	sor.u32 s2, s0;
	s1 =	sshll.u32 s1, $0x11  }
0x32: {  	s0 =	sor.u32 s1, s0  }
0x33: {  	s0 =	sadd.s32 $0x8F2B, s0  }
0x34: {  	[sflag:s0] =	ssyncadd.remote.s32 $0x1  }
0x35: {  	_ =	sfence.sel $0xFFFF  }
0x36: {  	[dreg:$0x0] =	wrdreg $0xFFFFFFFF;
	(pc) =	sbr.abs _section_cstart, $3  }
0x37: {  	[dreg:$0x1] =	wrdreg $0xFFFFFFFF  }
0x38: {  	_ =	task.clear_ibuf [dreg:s6], $0x2FFFF;
	_ =	strace $0x9FFFFFFF  }
0x39: {  	(tm) =	ssettm $0x7FFFFFFF  }
tec
execute0_lowered:
.L_overlay_start_1:
0x0: {  	(tag) =	ssettag $0x1  }
0x1: {  	s0 =	stileid.u32  }
0x2: {  	s1 =	srdreg.scid;
	s5 =	rddreg [dreg:$0x0];
	s31 =	simm.s32 $0x2  }
0x3: {  	s16 =	simm.s32 $0x0;
	s2 =	sshll.u32 s0, $0x6;
	s1 =	sshll.u32 s1, $0xA  }
0x4: {  	s9 =	simm.s32 $0x4000;
	s14 =	simm.s32 $0x0;
	s1 =	sor.u32 s2, s1  }
0x5: {  	s15 =	simm.s32 $0x0;
	s10 =	simm.s32 $0x0;
	s1 =	sand.u32 $0x780, s1  }
0x6: {  	s13 =	simm.s32 $0x0;
	s2 =	sand.u32 $0x1, s0;
	s3 =	ssub.s32 $0x800, s1  }
0x7: {  	s4 =	ssub.s32 $0x2, s2;
	s12 =	smov.u32 s2;
	s6 =	sand.u32 $0x780, s3  }
0x8: {  	s7 =	sshrl.u32 s4, $0x1;
	p0 =	sne.s32 s6, $0x0;
	s6 =	simm.s32 $0x1  }
0x9: {  	s4 =	sand.u32 $0x1, s4;
	s8 =	sshrl.u32 s3, $0xB;
	s6 =	simm.s32 @!p0 $0x0  }
.Ltmp0:
0xa: {  	s4 =	sadd.s32 s4, s7;
	s6 =	sadd.s32 s6, s8;
	(pc) =	sbr.rel .LBB1_1-.Ltmp0, $4  }
0xb: {  	s11 =	smov.u32 s1;
	s3 =	rddreg [dreg:$0x1];
	s7 =	smul.u32 s6, s4  }
0xc: {  	_ =	strace $0x80000047;
	p0 =	por $0x0, $0x0;
	s6 =	simm.s32 $0x1  }
0xd: {  	s4 =	sadd.s32 $0x6800, s5;
	[sflag:s6] =	ssyncpa.u1 $0x0;
	s7 =	sshll.u32 s7, $0x4  }
0xe: {  	s5 =	sadd.s32 $0x106800, s5;
	[sflag:s31] =	ssyncpa.u1 $0x0;
	s8 =	sor.u32 $0x1, s7  }
.LBB1_4:
0xf: {  	v5 =	vld [tilespmem:s19+$0xFFFFFFD0]  }
0x10: {  	[tilespmem:s20+$0x2040 ss:$0x81] =	vst.msk $0xffff, v1;
	v58 =	vld [tilespmem:s19+$0xFFFFFFE0]  }
0x11: {  	[tilespmem:s20+$0x2850 ss:$0x81] =	vst.msk $0xffff, v2;
	v59 =	vld [tilespmem:s19+$0xFFFFFFF0]  }
0x12: {  	s21 =	sshra.s32 s21, $0x2;
	[tilespmem:s20+$0x3060 ss:$0x81] =	vst.msk $0xffff, v3;
	v60 =	vld [tilespmem:s19+$0x0]  }
0x13: {  	[tilespmem:s20+$0x0 ss:$0x81] =	vst.msk $0xffff, v0;
	v61 =	vld [tilespmem:s19+$0x10];
	s18 =	sadd.s32 s21, s18  }
0x14: {  	s26 =	sshll.u32 s16, $0xB;
	v62 =	vld [tilespmem:s19+$0x20];
	[tilespmem:s18+$0x3870 ss:$0x81] =	vst.msk $0xffff, v4  }
0x15: {  	s27 =	sand.u32 $0x78, s14;
	s22 =	sshll.u32 s14, $0x3;
	v63 =	vld [tilespmem:s19+$0xFFFFFFC0];
	s29 =	sshll.u32 s16, $0x7;
	[tilespmem:s18+$0x810 ss:$0x81] =	vst.msk $0xffff, v5  }
0x16: {  	s15 =	sshll.u32 s15, $0x13;
	s20 =	sand.u32 $0x3FC000, s26;
	s28 =	sand.u32 $0x3FFC00, s22;
	[tilespmem:s18+$0x1020 ss:$0x81] =	vst.msk $0xffff, v58  }
0x17: {  	s31 =	sand.u32 $0x7, s14;
	s22 =	sand.u32 $0x400, s22;
	s19 =	sadd.s32 s28, s20;
	[tilespmem:s18+$0x1830 ss:$0x81] =	vst.msk $0xffff, v59  }
0x18: {  	s16 =	sand.u32 $0x380, s29;
	s30 =	sor.u32 s27, s22;
	s19 =	sshrl.u32 s19, $0x3;
	[tilespmem:s18+$0x2040 ss:$0x81] =	vst.msk $0xffff, v60  }
0x19: {  	s15 =	sadd.s32 s5, s15;
	s16 =	sor.u32 s16, s30;
	s19 =	sand.u32 $0x7FF00, s19;
	[tilespmem:s18+$0x2850 ss:$0x81] =	vst.msk $0xffff, v61  }
0x1a: {  	s14 =	sshll.u32 s31, $0x12;
	s16 =	sshrl.u32 s16, $0x3;
	[tilespmem:s18+$0x3060 ss:$0x81] =	vst.msk $0xffff, v62;
	s15 =	sadd.s32 s19, s15  }
0x1b: {  	s14 =	sor.u32 $0x400, s14;
	[tilespmem:s18+$0x0 ss:$0x81] =	vst.msk $0xffff, v63;
	s15 =	sadd.s32 s16, s15  }
0x1c: {  	[hbm4b:s15+s14] =	stream.strided.scatter [tilespmem:s17], [sflag:$0x2], $0x4000, s9, s14, $0x20;
	[tilespmem:$0x10100] =	vst v63  }
.LBB1_5:
0x1d: {  	s17 =	sadd.s32 $0x80, s10  }
0x1e: {  	s14 =	sadd.s32 $0x800, s11;
	s18 =	smov.u32 s11;
	p2 =	sgt.s32 s17, $0x7FF  }
0x1f: {  	s18 =	smov.u32 @p2 s14  }
0x20: {  	s20 =	smov.u32 s12;
	s14 =	sadd.s32 $0x2, s12;
	p3 =	sgt.s32 s18, $0x7FF  }
0x21: {  	s20 =	smov.u32 @p3 s14  }
0x22: {  	s17 =	simm.s32 @p2 $0x0;
	p2 =	sgt.s32 s20, $0x1  }
0x23: {  	p1 =	slt.u32 s13, $0x2;
	s20 =	smov.u32 @p2 s2;
	p2 =	sne.s32 s13, s8  }
.Ltmp1:
0x24: {  	s19 =	simm.s32 @!p1 $0x2;
	(pc) =	sbr.rel @!p2 .LBB1_6-.Ltmp1, $4  }
0x25: {  	s16 =	smov.u32 s10;
	s15 =	smov.u32 s12;
	_ =	swait.ge @!p1 [sflag:s19], $0x4000  }
0x26: {  	p0 =	por !p0, !p0;
	[sflag:s19] =	ssyncset.done @!p1 $0x0;
	s10 =	smov.u32 s17  }
0x27: {  	s18 =	smov.u32 @p3 s1;
	s14 =	smov.u32 s11;
	[sflag:s19] =	ssyncadd.s32 @!p1 $0xFFFFC000  }
0x28: {  	s11 =	smov.u32 s18;
	s13 =	sadd.s32 $0x1, s13;
	s12 =	smov.u32 s20  }
.LBB1_1:
0x29: {  	p1 =	sge.u32 s13, s7;
	s31 =	sadd.s32 $0xFFFFFFFF, s13  }
0x2a: {  	s17 =	sxor.u32 @!p1 $0xFFFFFFFF, s13;
	s18 =	sand.u32 @!p1 $0x78, s10;
	s19 =	sshll.u32 @!p1 s11, $0xB  }
0x2b: {  	s20 =	sshll.u32 @!p1 s11, $0x7;
	s21 =	sshll.u32 @!p1 s10, $0x3;
	s17 =	sshll.u32 @!p1 s17, $0xE  }
0x2c: {  	s19 =	sand.u32 @!p1 $0x3FC000, s19;
	s20 =	sand.u32 @!p1 $0x380, s20;
	s17 =	sand.u32 @!p1 $0x4000, s17  }
0x2d: {  	s19 =	sadd.s32 @!p1 s19, s21;
	s21 =	sand.u32 @!p1 $0x400, s21;
	s18 =	sor.u32 @!p1 s20, s18  }
0x2e: {  	s20 =	sshll.u32 @!p1 s12, $0x13;
	s18 =	sor.u32 @!p1 s21, s18;
	s19 =	sshrl.u32 @!p1 s19, $0x3  }
0x2f: {  	s20 =	sadd.s32 @!p1 s4, s20;
	s21 =	sand.u32 @!p1 $0x7, s10;
	s19 =	sand.u32 @!p1 $0x7FF00, s19  }
0x30: {  	s18 =	sshrl.u32 @!p1 s18, $0x3;
	s19 =	sadd.s32 @!p1 s19, s20;
	s20 =	sshll.u32 @!p1 s21, $0x12  }
0x31: {  	s18 =	sadd.s32 @!p1 s18, s19;
	s19 =	sor.u32 @!p1 $0x400, s20;
	s20 =	simm.s32 @!p1 $0x4000  }
0x32: {  	[tilespmem:s17], [sflag:$0x1] =	stream.strided.gather @!p1 [hbm4b:s18+s19], $0x4000, s20, s19, $0x38;
	[tilespmem:$0x10100] =	vst v63  }
0x33: {  	p1 =	sge.u32 s31, s7  }
.Ltmp2:
0x34: {  	_ = 	snop;
	(pc) =	sbr.rel @p1 .LBB1_5-.Ltmp2, $1  }
0x35: {  	_ =	sdelay $0x3  }
0x36: {  	s17 =	simm.s32 $0x1  }
0x37: {  	_ =	swait.ge [sflag:s6], $0x4000;
	s17 =	simm.s32 @!p0 $0x0  }
0x38: {  	[sflag:s6] =	ssyncset.done $0x0;
	s18 =	sshll.u32 s17, $0xE  }
0x39: {  	[sflag:s6] =	ssyncadd.s32 $0xFFFFC000;
	s19 =	sor.u32 $0x40, s18  }
0x3a: {  	s17 =	smul.u32 $0x10200, s17;
	v0 =	vld [tilespmem:s19+$0x30]  }
0x3b: {  	v3 =	vld [tilespmem:s19+$0xFFFFFFD0]  }
0x3c: {  	s17 =	sshrl.u32 s17, $0x2;
	v4 =	vld [tilespmem:s19+$0xFFFFFFE0]  }
0x3d: {  	v5 =	vld [tilespmem:s19+$0xFFFFFFF0];
	s18 =	sor.u32 $0x8000, s17  }
0x3e: {  	s31 =	sand.u32 $0x1, s13;
	v1 =	vld [tilespmem:s19+$0x0];
	s20 =	sadd.s32 $0x0, s18  }
0x3f: {  	v2 =	vld [tilespmem:s19+$0x10];
	s17 =	smul.u32 $0x10200, s31;
	[tilespmem:s20+$0x3870 ss:$0x81] =	vst.msk $0xffff, v0  }
0x40: {  	[tilespmem:s20+$0x810 ss:$0x81] =	vst.msk $0xffff, v3;
	v3 =	vld [tilespmem:s19+$0x20]  }
0x41: {  	s17 =	sshrl.u32 s17, $0x2;
	v0 =	vld [tilespmem:s19+$0xFFFFFFC0];
	[tilespmem:s20+$0x1020 ss:$0x81] =	vst.msk $0xffff, v4;
	s19 =	sadd.s32 $0x80, s19  }
0x42: {  	s21 =	simm.s32 $0x4;
	s22 =	simm.s32 $0x8;
	s17 =	sor.u32 $0x8000, s17;
	[tilespmem:s20+$0x1830 ss:$0x81] =	vst.msk $0xffff, v5;
	v4 =	vld [tilespmem:s19+$0x30]  }
.LBB1_3:
0x43: {  	p1 =	sne.s32 s22, $0x1FC;
	v5 =	vld [tilespmem:s19+$0xFFFFFFD0];
	[tilespmem:s20+$0x2040 ss:$0x81] =	vst.msk $0xffff, v1  }
0x44: {  	v6 =	vld [tilespmem:s19+$0xFFFFFFE0];
	[tilespmem:s20+$0x2850 ss:$0x81] =	vst.msk $0xffff, v2  }
0x45: {  	s23 =	sshra.s32 s21, $0x2;
	s21 =	smov.u32 s22;
	v7 =	vld [tilespmem:s19+$0xFFFFFFF0];
	[tilespmem:s20+$0x3060 ss:$0x81] =	vst.msk $0xffff, v3  }
.Ltmp3:
0x46: {  	v1 =	vld [tilespmem:s19+$0x0];
	[tilespmem:s20+$0x0 ss:$0x81] =	vst.msk $0xffff, v0;
	s20 =	sadd.s32 s23, s18;
	(pc) =	sbr.rel @p1 .LBB1_3-.Ltmp3, $4  }
0x47: {  	v2 =	vld [tilespmem:s19+$0x10];
	[tilespmem:s20+$0x3870 ss:$0x81] =	vst.msk $0xffff, v4  }
0x48: {  	[tilespmem:s20+$0x810 ss:$0x81] =	vst.msk $0xffff, v5;
	v3 =	vld [tilespmem:s19+$0x20]  }
0x49: {  	v0 =	vld [tilespmem:s19+$0xFFFFFFC0];
	[tilespmem:s20+$0x1020 ss:$0x81] =	vst.msk $0xffff, v6;
	s19 =	sadd.s32 $0x80, s19  }
0x4a: {  	s22 =	sadd.s32 $0x4, s22;
	v4 =	vld [tilespmem:s19+$0x30];
	[tilespmem:s20+$0x1830 ss:$0x81] =	vst.msk $0xffff, v7  }
.Ltmp4:
0x4b: {  	_ = 	snop;
	(pc) =	sbr.rel .LBB1_4-.Ltmp4, $1  }
0x4c: {  	_ =	sdelay $0x3  }
.LBB1_6:
0x4d: {  	_ =	sfence.sel $0x180000  }
0x4e: {  	s1 =	simm.s32 $0x1;
	[bflag:$0x0] =	sbarrier.arrive $0xFFFF  }
0x4f: {  	s31 =	simm.s32 $0x2;
	[sflag:s1] =	ssyncpa.u1 $0x1  }
0x50: {  	[sflag:s31] =	ssyncpa.u1 $0x1  }
0x51: {  	p0 =	sne.s32 s0, $0x0;
	_ =	strace $0x90000047  }
0x52: {  	s0 =	sadd.s32 @!p0 $0x100000, s3;
	[bflag:$0x2] =	sbarrier.arrive $0xFFFF  }
0x53: {  	[sflag:s0] =	ssyncadd.tile.s32 @!p0 $0x1;
	_ =	shalt  }
.Lfunc_end1:
_tile_overlayer_lowered:
.L_overlay_start_2:
0x54: {  	(tag) =	ssettag $0x2  }
0x55: {  	s0 =	rddreg [dreg:$0x0];
	s2 =	stileid.u32  }
0x56: {  	s1 =	rddreg [dreg:$0x1];
	p0 =	sne.s32 s2, $0x0  }
0x57: {  	s3 =	rddreg [dreg:$0x2];
	[bflag:$0x3] =	sbarrier.arrive $0xFFFF;
	s2 =	simm.s32 @!p0 $0x1C01  }
0x58: {  	[timem:s3], [sflag:s2] =	dma.local @!p0 [hbm:s0], s1  }
0x59: {  	s0 =	simm.s32 @!p0 $0x1  }
0x5a: {  	_ =	swait.ge @!p0 [sflag:s0], s1  }
0x5b: {  	s1 =	ssub.s32 @!p0 $0x0, s1;
	[sflag:s0] =	ssyncset.done @!p0 $0x0  }
0x5c: {  	[sflag:s0] =	ssyncadd.s32 @!p0 s1  }
0x5d: {  	[bflag:$0x3] =	sbarrier.arrive $0xFFFF  }
0x5e: {  	_ =	shalt  }

</sc_bundles>
